<compile_context>
chip_gen: v7x
topology: tpu7x:2x2x1
jax: 0.10.2.dev20260603
libtpu: 0.0.44.dev20260713+nightly
codegen_flags: <defaults>
</compile_context>

<pallas_src>
import functools

import jax
import jax.numpy as jnp
from jax import lax
from jax.experimental import pallas as pl
from jax.experimental.pallas import tpu as pltpu
from jax.experimental.pallas import tpu_sc as plsc

_NC = 2
_NS = 16
_NW = _NC * _NS

_CHUNK = 1280

_TJ = 4


def _sc_gather(table, idx, embed_dim):
    n = idx.shape[0]
    n_per_w = n // _NW
    n_chunks = n_per_w // _CHUNK

    mesh = plsc.VectorSubcoreMesh(core_axis_name="c", subcore_axis_name="s")

    @functools.partial(
        pl.kernel,
        out_type=jax.ShapeDtypeStruct((n, embed_dim), jnp.float32),
        mesh=mesh,
        scratch_types=[
            pltpu.VMEM((n_per_w,), jnp.int32),
            pltpu.VMEM((_CHUNK, embed_dim), jnp.float32),
            pltpu.VMEM((_CHUNK, embed_dim), jnp.float32),
            pltpu.SemaphoreType.DMA,
            pltpu.SemaphoreType.DMA,
        ],
        compiler_params=pltpu.CompilerParams(use_tc_tiling_on_sc=False),
    )
    def k(table_hbm, idx_hbm, out_hbm, idx_v, rows0, rows1, sem0, sem1):
        wid = lax.axis_index("s") * _NC + lax.axis_index("c")
        base = wid * n_per_w
        rows = (rows0, rows1)
        sems = (sem0, sem1)

        pltpu.sync_copy(idx_hbm.at[pl.ds(base, n_per_w)], idx_v)

        def fire(g, buf, sem):
            pltpu.async_copy(
                table_hbm.at[idx_v.at[pl.ds(g * _CHUNK, _CHUNK)]], buf, sem
            )

        fire(0, rows0, sem0)

        def step(g, carry):
            for b in range(2):

                @pl.when(g % 2 == b)
                def _():
                    buf, sem = rows[b], sems[b]

                    @pl.when(g < n_chunks - 1)
                    def _():
                        fire(g + 1, rows[1 - b], sems[1 - b])

                    pltpu.make_async_copy(
                        out_hbm.at[pl.ds(0, _CHUNK)], buf, sem
                    ).wait()
                    pltpu.sync_copy(buf, out_hbm.at[pl.ds(base + g * _CHUNK, _CHUNK)])

            return carry

        lax.fori_loop(0, n_chunks, step, 0)

    return k(table, idx)


def _tc_relayout(rows3d, batch, seq, embed_dim):
    eh = embed_dim // 8
    bh = batch // 128
    grid = seq // _TJ

    def body(in_ref, out_ref):
        y = in_ref[:, 0, 0, :].T
        for j in range(_TJ):
            for h in range(eh):
                ys = y[32 * j + 8 * h : 32 * j + 8 * h + 8]
                out_ref[j, h] = ys.reshape(8, bh, 128).transpose(1, 0, 2)

    return pl.pallas_call(
        body,
        grid=(grid,),
        in_specs=[
            pl.BlockSpec((batch, 1, 1, 128), lambda g: (0, g, 0, 0)),
        ],
        out_specs=pl.BlockSpec(
            (_TJ, eh, bh, 8, 128), lambda g: (g, 0, 0, 0, 0)
        ),
        out_shape=jax.ShapeDtypeStruct((seq, eh, bh, 8, 128), jnp.float32),
    )(rows3d)


def kernel(inputs, embedding_matrix):
    batch, seq = inputs.shape
    vocab, embed_dim = embedding_matrix.shape
    n = batch * seq
    rows = _sc_gather(embedding_matrix, inputs.astype(jnp.int32).reshape(n), embed_dim)
    out5 = _tc_relayout(
        rows.reshape(batch, seq * embed_dim // 128, 1, 128), batch, seq, embed_dim
    )
    return out5.transpose(2, 4, 0, 1, 3).reshape(batch, seq, embed_dim)

# --- scband reference (transcript-rebuilt; emitter-appended) ---
"""Pipeline reference for scband-embedding-layer-53687091200171 (READ-ONLY COPY).

The authoritative reference and input builder live on the scoring server;
editing this copy changes nothing except your own understanding.
"""

import jax, jax.numpy as jnp
import numpy as np

VOCAB = 1000000
EMBED_DIM = 32
BATCH = 4096
SEQ = 200

def setup_inputs(seed: int = 0) -> dict:
    key = jax.random.key(seed)
    k1, k2 = jax.random.split(key)
    inputs = jax.random.randint(k1, (BATCH, SEQ), 0, VOCAB, dtype=jnp.int64 if jax.config.jax_enable_x64 else jnp.int32)
    embedding_matrix = jax.random.normal(k2, (VOCAB, EMBED_DIM), dtype=jnp.float32)
    return {"inputs": inputs, "embedding_matrix": embedding_matrix}

def reference(inputs, embedding_matrix):
    # Faithful translation of keras Embedding lookup: out[b, t, :] = table[inputs[b, t], :]
    return jnp.take(embedding_matrix, inputs, axis=0)

if __name__ == "__main__":
    import jax
    _d = setup_inputs()
    print(jax.jit(kernel)(*tuple(_d.values())))

</pallas_src>

<mosaic_0001>
#map = affine_map<(d0, d1) -> (0, 0)>
#map1 = affine_map<(d0, d1) -> (0)>
module attributes {stable_mosaic.version = 14 : i64} {
  func.func @k(%arg0: i32, %arg1: i32, %arg2: memref<1000000x32xf32, #tpu.memory_space<hbm>>, %arg3: memref<819200xi32, #tpu.memory_space<hbm>>, %arg4: memref<819200x32xf32, #tpu.memory_space<hbm>>, %arg5: memref<25600xi32, #tpu.memory_space<vmem>>, %arg6: memref<1280x32xf32, #tpu.memory_space<vmem>>, %arg7: memref<1280x32xf32, #tpu.memory_space<vmem>>, %arg8: memref<!tpu.dma_semaphore, #tpu.memory_space<semaphore_mem>>, %arg9: memref<!tpu.dma_semaphore, #tpu.memory_space<semaphore_mem>>) attributes {dimension_semantics = [#tpu.dimension_semantics<core_parallel>, #tpu.dimension_semantics<subcore_parallel>], iteration_bounds = array<i64: 2, 16>, scalar_prefetch = 0 : i64, scratch_operands = 5 : i64, tpu.core_type = #tpu.core_type<sc_vector_subcore>, window_params = [{transform_indices = #map}, {transform_indices = #map1}, {transform_indices = #map}]} {
    %mul3A = arith.constant 2 : i32
    %mul3A_0 = arith.muli %arg1, %mul3A : i32
    %add3A = arith.addi %mul3A_0, %arg0 : i32
    %mul3A_1 = arith.constant 25600 : i32
    %mul3A_2 = arith.muli %add3A, %mul3A_1 : i32
    "tpu.region"() ({
      %run_scoped3A = tpu.sem_alloc : memref<!tpu.dma_semaphore, #tpu.memory_space<semaphore_mem>>
      %dma_start3A_12 = tpu.memref_slice %arg3[%mul3A_2] : memref<819200xi32, #tpu.memory_space<hbm>> -> memref<25600xi32, #tpu.memory_space<hbm>>
      %dma_start3A_13 = tpu.memref_slice %arg3[%mul3A_2] : memref<819200xi32, #tpu.memory_space<hbm>> -> memref<25600xi32, #tpu.memory_space<hbm>>
      tpu.enqueue_dma source(%dma_start3A_13 : memref<25600xi32, #tpu.memory_space<hbm>>) target(%arg5 : memref<25600xi32, #tpu.memory_space<vmem>>) target_semaphore(%run_scoped3A : memref<!tpu.dma_semaphore, #tpu.memory_space<semaphore_mem>>)
      %dma_wait3A = tpu.memref_slice %arg3[%mul3A_2] : memref<819200xi32, #tpu.memory_space<hbm>> -> memref<25600xi32, #tpu.memory_space<hbm>>
      %dma_wait3A_14 = tpu.memref_slice %arg3[%mul3A_2] : memref<819200xi32, #tpu.memory_space<hbm>> -> memref<25600xi32, #tpu.memory_space<hbm>>
      tpu.wait_dma2 semaphore(%run_scoped3A : memref<!tpu.dma_semaphore, #tpu.memory_space<semaphore_mem>>) src(%dma_wait3A_14 : memref<25600xi32, #tpu.memory_space<hbm>>) dst(%arg5 : memref<25600xi32, #tpu.memory_space<vmem>>)
      tpu.yield
    }) : () -> ()
    %dma_start3A = arith.constant 0 : i32
    %dma_start3A_3 = tpu.memref_slice %arg5[%dma_start3A] : memref<25600xi32, #tpu.memory_space<vmem>> -> memref<1280xi32, #tpu.memory_space<vmem>>
    %dma_start3A_4 = arith.constant 0 : i32
    %dma_start3A_5 = arith.constant 0 : i32
    %dma_start3A_6 = tpu.memref_slice %arg2[%dma_start3A_4, %dma_start3A_5] : memref<1000000x32xf32, #tpu.memory_space<hbm>> -> memref<1000000x32xf32, #tpu.memory_space<hbm>>
    tpu.enqueue_indirect_dma source(%dma_start3A_6 : memref<1000000x32xf32, #tpu.memory_space<hbm>>) target(%arg6 : memref<1280x32xf32, #tpu.memory_space<vmem>>) offsets(%dma_start3A_3 : memref<1280xi32, #tpu.memory_space<vmem>>) semaphore(%arg8 : memref<!tpu.dma_semaphore, #tpu.memory_space<semaphore_mem>>)
    %scan3A = arith.constant 0 : i32
    %scan3A_7 = arith.constant 0 : i32
    %scan3A_8 = arith.constant 20 : i32
    %scan3A_9 = arith.addi %scan3A_7, %scan3A_8 : i32
    %scan3A_10 = arith.constant 1 : i32
    scf.for %scan3A_12 = %scan3A_7 to %scan3A_9 step %scan3A_10  : i32 {
      %jit3A = arith.constant 2 : i32
      %eq3A = arith.constant 0 : i32
      %eq3A_13 = arith.cmpi eq, %jit3A, %eq3A : i32
      %jit3A_14 = arith.constant 1 : i32
      %select_n3A = arith.select %eq3A_13, %jit3A_14, %jit3A : i32
      %rem3A = arith.remsi %scan3A_12, %select_n3A : i32
      %ne3A = arith.constant 0 : i32
      %ne3A_15 = arith.cmpi ne, %rem3A, %ne3A : i32
      %lt3A = arith.constant 0 : i32
      %lt3A_16 = arith.cmpi slt, %rem3A, %lt3A : i32
      %lt3A_17 = arith.constant 0 : i32
      %lt3A_18 = arith.cmpi slt, %select_n3A, %lt3A_17 : i32
      %ne3A_19 = arith.xori %lt3A_16, %lt3A_18 : i1
      %and3A = arith.andi %ne3A_19, %ne3A_15 : i1
      %add3A_20 = arith.addi %rem3A, %select_n3A : i32
      %select_n3A_21 = arith.select %and3A, %add3A_20, %rem3A : i32
      %eq3A_22 = arith.constant 0 : i32
      %eq3A_23 = arith.cmpi eq, %select_n3A_21, %eq3A_22 : i32
      %convert_element_type3A = arith.extui %eq3A_23 : i1 to i32
      %cond3A = arith.constant 0 : i32
      %cond3A_24 = arith.cmpi ne, %convert_element_type3A, %cond3A : i32
      scf.if %cond3A_24 {
        %lt3A_46 = arith.constant 19 : i32
        %lt3A_47 = arith.cmpi slt, %scan3A_12, %lt3A_46 : i32
        %convert_element_type3A_48 = arith.extui %lt3A_47 : i1 to i32
        %cond3A_49 = arith.constant 0 : i32
        %cond3A_50 = arith.cmpi ne, %convert_element_type3A_48, %cond3A_49 : i32
        scf.if %cond3A_50 {
          %add3A_59 = arith.constant 1 : i32
          %add3A_60 = arith.addi %scan3A_12, %add3A_59 : i32
          %mul3A_61 = arith.constant 1280 : i32
          %mul3A_62 = arith.muli %add3A_60, %mul3A_61 : i32
          %dma_start3A_63 = tpu.memref_slice %arg5[%mul3A_62] : memref<25600xi32, #tpu.memory_space<vmem>> -> memref<1280xi32, #tpu.memory_space<vmem>>
          %dma_start3A_64 = arith.constant 0 : i32
          %dma_start3A_65 = arith.constant 0 : i32
          %dma_start3A_66 = tpu.memref_slice %arg2[%dma_start3A_64, %dma_start3A_65] : memref<1000000x32xf32, #tpu.memory_space<hbm>> -> memref<1000000x32xf32, #tpu.memory_space<hbm>>
          tpu.enqueue_indirect_dma source(%dma_start3A_66 : memref<1000000x32xf32, #tpu.memory_space<hbm>>) target(%arg7 : memref<1280x32xf32, #tpu.memory_space<vmem>>) offsets(%dma_start3A_63 : memref<1280xi32, #tpu.memory_space<vmem>>) semaphore(%arg9 : memref<!tpu.dma_semaphore, #tpu.memory_space<semaphore_mem>>)
        } else {
        }
        %dma_wait3A = arith.constant 0 : i32
        %dma_wait3A_51 = arith.constant 0 : i32
        %dma_wait3A_52 = tpu.memref_slice %arg4[%dma_wait3A, %dma_wait3A_51] : memref<819200x32xf32, #tpu.memory_space<hbm>> -> memref<1280x32xf32, #tpu.memory_space<hbm>>
        %dma_wait3A_53 = arith.constant 0 : i32
        %dma_wait3A_54 = arith.constant 0 : i32
        %dma_wait3A_55 = tpu.memref_slice %arg4[%dma_wait3A_53, %dma_wait3A_54] : memref<819200x32xf32, #tpu.memory_space<hbm>> -> memref<1280x32xf32, #tpu.memory_space<hbm>>
        tpu.wait_dma2 semaphore(%arg8 : memref<!tpu.dma_semaphore, #tpu.memory_space<semaphore_mem>>) src(%dma_wait3A_55 : memref<1280x32xf32, #tpu.memory_space<hbm>>) dst(%arg6 : memref<1280x32xf32, #tpu.memory_space<vmem>>)
        %mul3A_56 = arith.constant 1280 : i32
        %mul3A_57 = arith.muli %scan3A_12, %mul3A_56 : i32
        %add3A_58 = arith.addi %mul3A_2, %mul3A_57 : i32
        "tpu.region"() ({
          %run_scoped3A = tpu.sem_alloc : memref<!tpu.dma_semaphore, #tpu.memory_space<semaphore_mem>>
          %dma_start3A_59 = arith.constant 0 : i32
          %dma_start3A_60 = tpu.memref_slice %arg4[%add3A_58, %dma_start3A_59] : memref<819200x32xf32, #tpu.memory_space<hbm>> -> memref<1280x32xf32, #tpu.memory_space<hbm>>
          %dma_start3A_61 = arith.constant 0 : i32
          %dma_start3A_62 = tpu.memref_slice %arg4[%add3A_58, %dma_start3A_61] : memref<819200x32xf32, #tpu.memory_space<hbm>> -> memref<1280x32xf32, #tpu.memory_space<hbm>>
          tpu.enqueue_dma source(%arg6 : memref<1280x32xf32, #tpu.memory_space<vmem>>) target(%dma_start3A_62 : memref<1280x32xf32, #tpu.memory_space<hbm>>) target_semaphore(%run_scoped3A : memref<!tpu.dma_semaphore, #tpu.memory_space<semaphore_mem>>)
          %dma_wait3A_63 = arith.constant 0 : i32
          %dma_wait3A_64 = tpu.memref_slice %arg4[%add3A_58, %dma_wait3A_63] : memref<819200x32xf32, #tpu.memory_space<hbm>> -> memref<1280x32xf32, #tpu.memory_space<hbm>>
          %dma_wait3A_65 = arith.constant 0 : i32
          %dma_wait3A_66 = tpu.memref_slice %arg4[%add3A_58, %dma_wait3A_65] : memref<819200x32xf32, #tpu.memory_space<hbm>> -> memref<1280x32xf32, #tpu.memory_space<hbm>>
          tpu.wait_dma2 semaphore(%run_scoped3A : memref<!tpu.dma_semaphore, #tpu.memory_space<semaphore_mem>>) src(%arg6 : memref<1280x32xf32, #tpu.memory_space<vmem>>) dst(%dma_wait3A_66 : memref<1280x32xf32, #tpu.memory_space<hbm>>)
          tpu.yield
        }) : () -> ()
      } else {
      }
      %jit3A_25 = arith.constant 2 : i32
      %eq3A_26 = arith.constant 0 : i32
      %eq3A_27 = arith.cmpi eq, %jit3A_25, %eq3A_26 : i32
      %jit3A_28 = arith.constant 1 : i32
      %select_n3A_29 = arith.select %eq3A_27, %jit3A_28, %jit3A_25 : i32
      %rem3A_30 = arith.remsi %scan3A_12, %select_n3A_29 : i32
      %ne3A_31 = arith.constant 0 : i32
      %ne3A_32 = arith.cmpi ne, %rem3A_30, %ne3A_31 : i32
      %lt3A_33 = arith.constant 0 : i32
      %lt3A_34 = arith.cmpi slt, %rem3A_30, %lt3A_33 : i32
      %lt3A_35 = arith.constant 0 : i32
      %lt3A_36 = arith.cmpi slt, %select_n3A_29, %lt3A_35 : i32
      %ne3A_37 = arith.xori %lt3A_34, %lt3A_36 : i1
      %and3A_38 = arith.andi %ne3A_37, %ne3A_32 : i1
      %add3A_39 = arith.addi %rem3A_30, %select_n3A_29 : i32
      %select_n3A_40 = arith.select %and3A_38, %add3A_39, %rem3A_30 : i32
      %eq3A_41 = arith.constant 1 : i32
      %eq3A_42 = arith.cmpi eq, %select_n3A_40, %eq3A_41 : i32
      %convert_element_type3A_43 = arith.extui %eq3A_42 : i1 to i32
      %cond3A_44 = arith.constant 0 : i32
      %cond3A_45 = arith.cmpi ne, %convert_element_type3A_43, %cond3A_44 : i32
      scf.if %cond3A_45 {
        %lt3A_46 = arith.constant 19 : i32
        %lt3A_47 = arith.cmpi slt, %scan3A_12, %lt3A_46 : i32
        %convert_element_type3A_48 = arith.extui %lt3A_47 : i1 to i32
        %cond3A_49 = arith.constant 0 : i32
        %cond3A_50 = arith.cmpi ne, %convert_element_type3A_48, %cond3A_49 : i32
        scf.if %cond3A_50 {
          %add3A_59 = arith.constant 1 : i32
          %add3A_60 = arith.addi %scan3A_12, %add3A_59 : i32
          %mul3A_61 = arith.constant 1280 : i32
          %mul3A_62 = arith.muli %add3A_60, %mul3A_61 : i32
          %dma_start3A_63 = tpu.memref_slice %arg5[%mul3A_62] : memref<25600xi32, #tpu.memory_space<vmem>> -> memref<1280xi32, #tpu.memory_space<vmem>>
          %dma_start3A_64 = arith.constant 0 : i32
          %dma_start3A_65 = arith.constant 0 : i32
          %dma_start3A_66 = tpu.memref_slice %arg2[%dma_start3A_64, %dma_start3A_65] : memref<1000000x32xf32, #tpu.memory_space<hbm>> -> memref<1000000x32xf32, #tpu.memory_space<hbm>>
          tpu.enqueue_indirect_dma source(%dma_start3A_66 : memref<1000000x32xf32, #tpu.memory_space<hbm>>) target(%arg6 : memref<1280x32xf32, #tpu.memory_space<vmem>>) offsets(%dma_start3A_63 : memref<1280xi32, #tpu.memory_space<vmem>>) semaphore(%arg8 : memref<!tpu.dma_semaphore, #tpu.memory_space<semaphore_mem>>)
        } else {
        }
        %dma_wait3A = arith.constant 0 : i32
        %dma_wait3A_51 = arith.constant 0 : i32
        %dma_wait3A_52 = tpu.memref_slice %arg4[%dma_wait3A, %dma_wait3A_51] : memref<819200x32xf32, #tpu.memory_space<hbm>> -> memref<1280x32xf32, #tpu.memory_space<hbm>>
        %dma_wait3A_53 = arith.constant 0 : i32
        %dma_wait3A_54 = arith.constant 0 : i32
        %dma_wait3A_55 = tpu.memref_slice %arg4[%dma_wait3A_53, %dma_wait3A_54] : memref<819200x32xf32, #tpu.memory_space<hbm>> -> memref<1280x32xf32, #tpu.memory_space<hbm>>
        tpu.wait_dma2 semaphore(%arg9 : memref<!tpu.dma_semaphore, #tpu.memory_space<semaphore_mem>>) src(%dma_wait3A_55 : memref<1280x32xf32, #tpu.memory_space<hbm>>) dst(%arg7 : memref<1280x32xf32, #tpu.memory_space<vmem>>)
        %mul3A_56 = arith.constant 1280 : i32
        %mul3A_57 = arith.muli %scan3A_12, %mul3A_56 : i32
        %add3A_58 = arith.addi %mul3A_2, %mul3A_57 : i32
        "tpu.region"() ({
          %run_scoped3A = tpu.sem_alloc : memref<!tpu.dma_semaphore, #tpu.memory_space<semaphore_mem>>
          %dma_start3A_59 = arith.constant 0 : i32
          %dma_start3A_60 = tpu.memref_slice %arg4[%add3A_58, %dma_start3A_59] : memref<819200x32xf32, #tpu.memory_space<hbm>> -> memref<1280x32xf32, #tpu.memory_space<hbm>>
          %dma_start3A_61 = arith.constant 0 : i32
          %dma_start3A_62 = tpu.memref_slice %arg4[%add3A_58, %dma_start3A_61] : memref<819200x32xf32, #tpu.memory_space<hbm>> -> memref<1280x32xf32, #tpu.memory_space<hbm>>
          tpu.enqueue_dma source(%arg7 : memref<1280x32xf32, #tpu.memory_space<vmem>>) target(%dma_start3A_62 : memref<1280x32xf32, #tpu.memory_space<hbm>>) target_semaphore(%run_scoped3A : memref<!tpu.dma_semaphore, #tpu.memory_space<semaphore_mem>>)
          %dma_wait3A_63 = arith.constant 0 : i32
          %dma_wait3A_64 = tpu.memref_slice %arg4[%add3A_58, %dma_wait3A_63] : memref<819200x32xf32, #tpu.memory_space<hbm>> -> memref<1280x32xf32, #tpu.memory_space<hbm>>
          %dma_wait3A_65 = arith.constant 0 : i32
          %dma_wait3A_66 = tpu.memref_slice %arg4[%add3A_58, %dma_wait3A_65] : memref<819200x32xf32, #tpu.memory_space<hbm>> -> memref<1280x32xf32, #tpu.memory_space<hbm>>
          tpu.wait_dma2 semaphore(%run_scoped3A : memref<!tpu.dma_semaphore, #tpu.memory_space<semaphore_mem>>) src(%arg7 : memref<1280x32xf32, #tpu.memory_space<vmem>>) dst(%dma_wait3A_66 : memref<1280x32xf32, #tpu.memory_space<hbm>>)
          tpu.yield
        }) : () -> ()
      } else {
      }
    }
    %scan3A_11 = arith.constant 20 : i32
    return
  }
}

module attributes {stable_mosaic.version = 14 : i64} {
  func.func @body(%arg0: i32, %arg1: memref<4096x1x1x128xf32, #tpu.memory_space<vmem>>, %arg2: memref<4x4x32x8x128xf32, #tpu.memory_space<vmem>>) attributes {dimension_semantics = [#tpu.dimension_semantics<arbitrary>], iteration_bounds = array<i64: 50>, scalar_prefetch = 0 : i64, scratch_operands = 0 : i64, tpu.core_type = #tpu.core_type<tc>, window_params = [{transform_indices = @transform_0, window_bounds = array<i64: 4096, 1, 1, 128>}, {transform_indices = @transform_1, window_bounds = array<i64: 4, 4, 32, 8, 128>}]} {
    %get3A = arith.constant 0 : index
    %get3A_0 = arith.constant 0 : index
    %get3A_1 = arith.constant 0 : index
    %get3A_2 = arith.constant 0 : index
    %get3A_3 = vector.load %arg1[%get3A, %get3A_0, %get3A_1, %get3A_2] : memref<4096x1x1x128xf32, #tpu.memory_space<vmem>>, vector<4096x1x1x128xf32>
    %get3A_4 = vector.shape_cast %get3A_3 : vector<4096x1x1x128xf32> to vector<4096x128xf32>
    %transpose3A = tpu.transpose %get3A_4, [1, 0] : vector<4096x128xf32> -> vector<128x4096xf32>
    %slice3A = vector.extract_strided_slice %transpose3A {offsets = [0, 0], sizes = [8, 4096], strides = [1, 1]} : vector<128x4096xf32> to vector<8x4096xf32>
    %reshape3A = vector.shape_cast %slice3A : vector<8x4096xf32> to vector<8x32x128xf32>
    %transpose3A_5 = tpu.transpose %reshape3A, [1, 0, 2] : vector<8x32x128xf32> -> vector<32x8x128xf32>
    %swap3A = arith.constant 0 : index
    %swap3A_6 = arith.constant 0 : index
    %swap3A_7 = arith.constant 0 : index
    %swap3A_8 = arith.constant 0 : index
    %swap3A_9 = arith.constant 0 : index
    %swap3A_10 = vector.load %arg2[%swap3A, %swap3A_6, %swap3A_7, %swap3A_8, %swap3A_9] : memref<4x4x32x8x128xf32, #tpu.memory_space<vmem>>, vector<1x1x32x8x128xf32>
    %swap3A_11 = vector.shape_cast %swap3A_10 : vector<1x1x32x8x128xf32> to vector<32x8x128xf32>
    %swap3A_12 = vector.shape_cast %transpose3A_5 : vector<32x8x128xf32> to vector<1x1x32x8x128xf32>
    tpu.vector_store %arg2[%swap3A, %swap3A_6, %swap3A_7, %swap3A_8, %swap3A_9], %swap3A_12 {strides = array<i32>} : memref<4x4x32x8x128xf32, #tpu.memory_space<vmem>>, vector<1x1x32x8x128xf32>,
    %slice3A_13 = vector.extract_strided_slice %transpose3A {offsets = [8, 0], sizes = [8, 4096], strides = [1, 1]} : vector<128x4096xf32> to vector<8x4096xf32>
    %reshape3A_14 = vector.shape_cast %slice3A_13 : vector<8x4096xf32> to vector<8x32x128xf32>
    %transpose3A_15 = tpu.transpose %reshape3A_14, [1, 0, 2] : vector<8x32x128xf32> -> vector<32x8x128xf32>
    %swap3A_16 = arith.constant 0 : index
    %swap3A_17 = arith.constant 1 : index
    %swap3A_18 = arith.constant 0 : index
    %swap3A_19 = arith.constant 0 : index
    %swap3A_20 = arith.constant 0 : index
    %swap3A_21 = vector.load %arg2[%swap3A_16, %swap3A_17, %swap3A_18, %swap3A_19, %swap3A_20] : memref<4x4x32x8x128xf32, #tpu.memory_space<vmem>>, vector<1x1x32x8x128xf32>
    %swap3A_22 = vector.shape_cast %swap3A_21 : vector<1x1x32x8x128xf32> to vector<32x8x128xf32>
    %swap3A_23 = vector.shape_cast %transpose3A_15 : vector<32x8x128xf32> to vector<1x1x32x8x128xf32>
    tpu.vector_store %arg2[%swap3A_16, %swap3A_17, %swap3A_18, %swap3A_19, %swap3A_20], %swap3A_23 {strides = array<i32>} : memref<4x4x32x8x128xf32, #tpu.memory_space<vmem>>, vector<1x1x32x8x128xf32>,
    %slice3A_24 = vector.extract_strided_slice %transpose3A {offsets = [16, 0], sizes = [8, 4096], strides = [1, 1]} : vector<128x4096xf32> to vector<8x4096xf32>
    %reshape3A_25 = vector.shape_cast %slice3A_24 : vector<8x4096xf32> to vector<8x32x128xf32>
    %transpose3A_26 = tpu.transpose %reshape3A_25, [1, 0, 2] : vector<8x32x128xf32> -> vector<32x8x128xf32>
    %swap3A_27 = arith.constant 0 : index
    %swap3A_28 = arith.constant 2 : index
    %swap3A_29 = arith.constant 0 : index
    %swap3A_30 = arith.constant 0 : index
    %swap3A_31 = arith.constant 0 : index
    %swap3A_32 = vector.load %arg2[%swap3A_27, %swap3A_28, %swap3A_29, %swap3A_30, %swap3A_31] : memref<4x4x32x8x128xf32, #tpu.memory_space<vmem>>, vector<1x1x32x8x128xf32>
    %swap3A_33 = vector.shape_cast %swap3A_32 : vector<1x1x32x8x128xf32> to vector<32x8x128xf32>
    %swap3A_34 = vector.shape_cast %transpose3A_26 : vector<32x8x128xf32> to vector<1x1x32x8x128xf32>
    tpu.vector_store %arg2[%swap3A_27, %swap3A_28, %swap3A_29, %swap3A_30, %swap3A_31], %swap3A_34 {strides = array<i32>} : memref<4x4x32x8x128xf32, #tpu.memory_space<vmem>>, vector<1x1x32x8x128xf32>,
    %slice3A_35 = vector.extract_strided_slice %transpose3A {offsets = [24, 0], sizes = [8, 4096], strides = [1, 1]} : vector<128x4096xf32> to vector<8x4096xf32>
    %reshape3A_36 = vector.shape_cast %slice3A_35 : vector<8x4096xf32> to vector<8x32x128xf32>
    %transpose3A_37 = tpu.transpose %reshape3A_36, [1, 0, 2] : vector<8x32x128xf32> -> vector<32x8x128xf32>
    %swap3A_38 = arith.constant 0 : index
    %swap3A_39 = arith.constant 3 : index
    %swap3A_40 = arith.constant 0 : index
    %swap3A_41 = arith.constant 0 : index
    %swap3A_42 = arith.constant 0 : index
    %swap3A_43 = vector.load %arg2[%swap3A_38, %swap3A_39, %swap3A_40, %swap3A_41, %swap3A_42] : memref<4x4x32x8x128xf32, #tpu.memory_space<vmem>>, vector<1x1x32x8x128xf32>
    %swap3A_44 = vector.shape_cast %swap3A_43 : vector<1x1x32x8x128xf32> to vector<32x8x128xf32>
    %swap3A_45 = vector.shape_cast %transpose3A_37 : vector<32x8x128xf32> to vector<1x1x32x8x128xf32>
    tpu.vector_store %arg2[%swap3A_38, %swap3A_39, %swap3A_40, %swap3A_41, %swap3A_42], %swap3A_45 {strides = array<i32>} : memref<4x4x32x8x128xf32, #tpu.memory_space<vmem>>, vector<1x1x32x8x128xf32>,
    %slice3A_46 = vector.extract_strided_slice %transpose3A {offsets = [32, 0], sizes = [8, 4096], strides = [1, 1]} : vector<128x4096xf32> to vector<8x4096xf32>
    %reshape3A_47 = vector.shape_cast %slice3A_46 : vector<8x4096xf32> to vector<8x32x128xf32>
    %transpose3A_48 = tpu.transpose %reshape3A_47, [1, 0, 2] : vector<8x32x128xf32> -> vector<32x8x128xf32>
    %swap3A_49 = arith.constant 1 : index
    %swap3A_50 = arith.constant 0 : index
    %swap3A_51 = arith.constant 0 : index
    %swap3A_52 = arith.constant 0 : index
    %swap3A_53 = arith.constant 0 : index
    %swap3A_54 = vector.load %arg2[%swap3A_49, %swap3A_50, %swap3A_51, %swap3A_52, %swap3A_53] : memref<4x4x32x8x128xf32, #tpu.memory_space<vmem>>, vector<1x1x32x8x128xf32>
    %swap3A_55 = vector.shape_cast %swap3A_54 : vector<1x1x32x8x128xf32> to vector<32x8x128xf32>
    %swap3A_56 = vector.shape_cast %transpose3A_48 : vector<32x8x128xf32> to vector<1x1x32x8x128xf32>
    tpu.vector_store %arg2[%swap3A_49, %swap3A_50, %swap3A_51, %swap3A_52, %swap3A_53], %swap3A_56 {strides = array<i32>} : memref<4x4x32x8x128xf32, #tpu.memory_space<vmem>>, vector<1x1x32x8x128xf32>,
    %slice3A_57 = vector.extract_strided_slice %transpose3A {offsets = [40, 0], sizes = [8, 4096], strides = [1, 1]} : vector<128x4096xf32> to vector<8x4096xf32>
    %reshape3A_58 = vector.shape_cast %slice3A_57 : vector<8x4096xf32> to vector<8x32x128xf32>
    %transpose3A_59 = tpu.transpose %reshape3A_58, [1, 0, 2] : vector<8x32x128xf32> -> vector<32x8x128xf32>
    %swap3A_60 = arith.constant 1 : index
    %swap3A_61 = arith.constant 1 : index
    %swap3A_62 = arith.constant 0 : index
    %swap3A_63 = arith.constant 0 : index
    %swap3A_64 = arith.constant 0 : index
    %swap3A_65 = vector.load %arg2[%swap3A_60, %swap3A_61, %swap3A_62, %swap3A_63, %swap3A_64] : memref<4x4x32x8x128xf32, #tpu.memory_space<vmem>>, vector<1x1x32x8x128xf32>
    %swap3A_66 = vector.shape_cast %swap3A_65 : vector<1x1x32x8x128xf32> to vector<32x8x128xf32>
    %swap3A_67 = vector.shape_cast %transpose3A_59 : vector<32x8x128xf32> to vector<1x1x32x8x128xf32>
    tpu.vector_store %arg2[%swap3A_60, %swap3A_61, %swap3A_62, %swap3A_63, %swap3A_64], %swap3A_67 {strides = array<i32>} : memref<4x4x32x8x128xf32, #tpu.memory_space<vmem>>, vector<1x1x32x8x128xf32>,
    %slice3A_68 = vector.extract_strided_slice %transpose3A {offsets = [48, 0], sizes = [8, 4096], strides = [1, 1]} : vector<128x4096xf32> to vector<8x4096xf32>
    %reshape3A_69 = vector.shape_cast %slice3A_68 : vector<8x4096xf32> to vector<8x32x128xf32>
    %transpose3A_70 = tpu.transpose %reshape3A_69, [1, 0, 2] : vector<8x32x128xf32> -> vector<32x8x128xf32>
    %swap3A_71 = arith.constant 1 : index
    %swap3A_72 = arith.constant 2 : index
    %swap3A_73 = arith.constant 0 : index
    %swap3A_74 = arith.constant 0 : index
    %swap3A_75 = arith.constant 0 : index
    %swap3A_76 = vector.load %arg2[%swap3A_71, %swap3A_72, %swap3A_73, %swap3A_74, %swap3A_75] : memref<4x4x32x8x128xf32, #tpu.memory_space<vmem>>, vector<1x1x32x8x128xf32>
    %swap3A_77 = vector.shape_cast %swap3A_76 : vector<1x1x32x8x128xf32> to vector<32x8x128xf32>
    %swap3A_78 = vector.shape_cast %transpose3A_70 : vector<32x8x128xf32> to vector<1x1x32x8x128xf32>
    tpu.vector_store %arg2[%swap3A_71, %swap3A_72, %swap3A_73, %swap3A_74, %swap3A_75], %swap3A_78 {strides = array<i32>} : memref<4x4x32x8x128xf32, #tpu.memory_space<vmem>>, vector<1x1x32x8x128xf32>,
    %slice3A_79 = vector.extract_strided_slice %transpose3A {offsets = [56, 0], sizes = [8, 4096], strides = [1, 1]} : vector<128x4096xf32> to vector<8x4096xf32>
    %reshape3A_80 = vector.shape_cast %slice3A_79 : vector<8x4096xf32> to vector<8x32x128xf32>
    %transpose3A_81 = tpu.transpose %reshape3A_80, [1, 0, 2] : vector<8x32x128xf32> -> vector<32x8x128xf32>
    %swap3A_82 = arith.constant 1 : index
    %swap3A_83 = arith.constant 3 : index
    %swap3A_84 = arith.constant 0 : index
    %swap3A_85 = arith.constant 0 : index
    %swap3A_86 = arith.constant 0 : index
    %swap3A_87 = vector.load %arg2[%swap3A_82, %swap3A_83, %swap3A_84, %swap3A_85, %swap3A_86] : memref<4x4x32x8x128xf32, #tpu.memory_space<vmem>>, vector<1x1x32x8x128xf32>
    %swap3A_88 = vector.shape_cast %swap3A_87 : vector<1x1x32x8x128xf32> to vector<32x8x128xf32>
    %swap3A_89 = vector.shape_cast %transpose3A_81 : vector<32x8x128xf32> to vector<1x1x32x8x128xf32>
    tpu.vector_store %arg2[%swap3A_82, %swap3A_83, %swap3A_84, %swap3A_85, %swap3A_86], %swap3A_89 {strides = array<i32>} : memref<4x4x32x8x128xf32, #tpu.memory_space<vmem>>, vector<1x1x32x8x128xf32>,
    %slice3A_90 = vector.extract_strided_slice %transpose3A {offsets = [64, 0], sizes = [8, 4096], strides = [1, 1]} : vector<128x4096xf32> to vector<8x4096xf32>
    %reshape3A_91 = vector.shape_cast %slice3A_90 : vector<8x4096xf32> to vector<8x32x128xf32>
    %transpose3A_92 = tpu.transpose %reshape3A_91, [1, 0, 2] : vector<8x32x128xf32> -> vector<32x8x128xf32>
    %swap3A_93 = arith.constant 2 : index
    %swap3A_94 = arith.constant 0 : index
    %swap3A_95 = arith.constant 0 : index
    %swap3A_96 = arith.constant 0 : index
    %swap3A_97 = arith.constant 0 : index
    %swap3A_98 = vector.load %arg2[%swap3A_93, %swap3A_94, %swap3A_95, %swap3A_96, %swap3A_97] : memref<4x4x32x8x128xf32, #tpu.memory_space<vmem>>, vector<1x1x32x8x128xf32>
    %swap3A_99 = vector.shape_cast %swap3A_98 : vector<1x1x32x8x128xf32> to vector<32x8x128xf32>
    %swap3A_100 = vector.shape_cast %transpose3A_92 : vector<32x8x128xf32> to vector<1x1x32x8x128xf32>
    tpu.vector_store %arg2[%swap3A_93, %swap3A_94, %swap3A_95, %swap3A_96, %swap3A_97], %swap3A_100 {strides = array<i32>} : memref<4x4x32x8x128xf32, #tpu.memory_space<vmem>>, vector<1x1x32x8x128xf32>,
    %slice3A_101 = vector.extract_strided_slice %transpose3A {offsets = [72, 0], sizes = [8, 4096], strides = [1, 1]} : vector<128x4096xf32> to vector<8x4096xf32>
    %reshape3A_102 = vector.shape_cast %slice3A_101 : vector<8x4096xf32> to vector<8x32x128xf32>
    %transpose3A_103 = tpu.transpose %reshape3A_102, [1, 0, 2] : vector<8x32x128xf32> -> vector<32x8x128xf32>
    %swap3A_104 = arith.constant 2 : index
    %swap3A_105 = arith.constant 1 : index
    %swap3A_106 = arith.constant 0 : index
    %swap3A_107 = arith.constant 0 : index
    %swap3A_108 = arith.constant 0 : index
    %swap3A_109 = vector.load %arg2[%swap3A_104, %swap3A_105, %swap3A_106, %swap3A_107, %swap3A_108] : memref<4x4x32x8x128xf32, #tpu.memory_space<vmem>>, vector<1x1x32x8x128xf32>
    %swap3A_110 = vector.shape_cast %swap3A_109 : vector<1x1x32x8x128xf32> to vector<32x8x128xf32>
    %swap3A_111 = vector.shape_cast %transpose3A_103 : vector<32x8x128xf32> to vector<1x1x32x8x128xf32>
    tpu.vector_store %arg2[%swap3A_104, %swap3A_105, %swap3A_106, %swap3A_107, %swap3A_108], %swap3A_111 {strides = array<i32>} : memref<4x4x32x8x128xf32, #tpu.memory_space<vmem>>, vector<1x1x32x8x128xf32>,
    %slice3A_112 = vector.extract_strided_slice %transpose3A {offsets = [80, 0], sizes = [8, 4096], strides = [1, 1]} : vector<128x4096xf32> to vector<8x4096xf32>
    %reshape3A_113 = vector.shape_cast %slice3A_112 : vector<8x4096xf32> to vector<8x32x128xf32>
    %transpose3A_114 = tpu.transpose %reshape3A_113, [1, 0, 2] : vector<8x32x128xf32> -> vector<32x8x128xf32>
    %swap3A_115 = arith.constant 2 : index
    %swap3A_116 = arith.constant 2 : index
    %swap3A_117 = arith.constant 0 : index
    %swap3A_118 = arith.constant 0 : index
    %swap3A_119 = arith.constant 0 : index
    %swap3A_120 = vector.load %arg2[%swap3A_115, %swap3A_116, %swap3A_117, %swap3A_118, %swap3A_119] : memref<4x4x32x8x128xf32, #tpu.memory_space<vmem>>, vector<1x1x32x8x128xf32>
    %swap3A_121 = vector.shape_cast %swap3A_120 : vector<1x1x32x8x128xf32> to vector<32x8x128xf32>
    %swap3A_122 = vector.shape_cast %transpose3A_114 : vector<32x8x128xf32> to vector<1x1x32x8x128xf32>
    tpu.vector_store %arg2[%swap3A_115, %swap3A_116, %swap3A_117, %swap3A_118, %swap3A_119], %swap3A_122 {strides = array<i32>} : memref<4x4x32x8x128xf32, #tpu.memory_space<vmem>>, vector<1x1x32x8x128xf32>,
    %slice3A_123 = vector.extract_strided_slice %transpose3A {offsets = [88, 0], sizes = [8, 4096], strides = [1, 1]} : vector<128x4096xf32> to vector<8x4096xf32>
    %reshape3A_124 = vector.shape_cast %slice3A_123 : vector<8x4096xf32> to vector<8x32x128xf32>
    %transpose3A_125 = tpu.transpose %reshape3A_124, [1, 0, 2] : vector<8x32x128xf32> -> vector<32x8x128xf32>
    %swap3A_126 = arith.constant 2 : index
    %swap3A_127 = arith.constant 3 : index
    %swap3A_128 = arith.constant 0 : index
    %swap3A_129 = arith.constant 0 : index
    %swap3A_130 = arith.constant 0 : index
    %swap3A_131 = vector.load %arg2[%swap3A_126, %swap3A_127, %swap3A_128, %swap3A_129, %swap3A_130] : memref<4x4x32x8x128xf32, #tpu.memory_space<vmem>>, vector<1x1x32x8x128xf32>
    %swap3A_132 = vector.shape_cast %swap3A_131 : vector<1x1x32x8x128xf32> to vector<32x8x128xf32>
    %swap3A_133 = vector.shape_cast %transpose3A_125 : vector<32x8x128xf32> to vector<1x1x32x8x128xf32>
    tpu.vector_store %arg2[%swap3A_126, %swap3A_127, %swap3A_128, %swap3A_129, %swap3A_130], %swap3A_133 {strides = array<i32>} : memref<4x4x32x8x128xf32, #tpu.memory_space<vmem>>, vector<1x1x32x8x128xf32>,
    %slice3A_134 = vector.extract_strided_slice %transpose3A {offsets = [96, 0], sizes = [8, 4096], strides = [1, 1]} : vector<128x4096xf32> to vector<8x4096xf32>
    %reshape3A_135 = vector.shape_cast %slice3A_134 : vector<8x4096xf32> to vector<8x32x128xf32>
    %transpose3A_136 = tpu.transpose %reshape3A_135, [1, 0, 2] : vector<8x32x128xf32> -> vector<32x8x128xf32>
    %swap3A_137 = arith.constant 3 : index
    %swap3A_138 = arith.constant 0 : index
    %swap3A_139 = arith.constant 0 : index
    %swap3A_140 = arith.constant 0 : index
    %swap3A_141 = arith.constant 0 : index
    %swap3A_142 = vector.load %arg2[%swap3A_137, %swap3A_138, %swap3A_139, %swap3A_140, %swap3A_141] : memref<4x4x32x8x128xf32, #tpu.memory_space<vmem>>, vector<1x1x32x8x128xf32>
    %swap3A_143 = vector.shape_cast %swap3A_142 : vector<1x1x32x8x128xf32> to vector<32x8x128xf32>
    %swap3A_144 = vector.shape_cast %transpose3A_136 : vector<32x8x128xf32> to vector<1x1x32x8x128xf32>
    tpu.vector_store %arg2[%swap3A_137, %swap3A_138, %swap3A_139, %swap3A_140, %swap3A_141], %swap3A_144 {strides = array<i32>} : memref<4x4x32x8x128xf32, #tpu.memory_space<vmem>>, vector<1x1x32x8x128xf32>,
    %slice3A_145 = vector.extract_strided_slice %transpose3A {offsets = [104, 0], sizes = [8, 4096], strides = [1, 1]} : vector<128x4096xf32> to vector<8x4096xf32>
    %reshape3A_146 = vector.shape_cast %slice3A_145 : vector<8x4096xf32> to vector<8x32x128xf32>
    %transpose3A_147 = tpu.transpose %reshape3A_146, [1, 0, 2] : vector<8x32x128xf32> -> vector<32x8x128xf32>
    %swap3A_148 = arith.constant 3 : index
    %swap3A_149 = arith.constant 1 : index
    %swap3A_150 = arith.constant 0 : index
    %swap3A_151 = arith.constant 0 : index
    %swap3A_152 = arith.constant 0 : index
    %swap3A_153 = vector.load %arg2[%swap3A_148, %swap3A_149, %swap3A_150, %swap3A_151, %swap3A_152] : memref<4x4x32x8x128xf32, #tpu.memory_space<vmem>>, vector<1x1x32x8x128xf32>
    %swap3A_154 = vector.shape_cast %swap3A_153 : vector<1x1x32x8x128xf32> to vector<32x8x128xf32>
    %swap3A_155 = vector.shape_cast %transpose3A_147 : vector<32x8x128xf32> to vector<1x1x32x8x128xf32>
    tpu.vector_store %arg2[%swap3A_148, %swap3A_149, %swap3A_150, %swap3A_151, %swap3A_152], %swap3A_155 {strides = array<i32>} : memref<4x4x32x8x128xf32, #tpu.memory_space<vmem>>, vector<1x1x32x8x128xf32>,
    %slice3A_156 = vector.extract_strided_slice %transpose3A {offsets = [112, 0], sizes = [8, 4096], strides = [1, 1]} : vector<128x4096xf32> to vector<8x4096xf32>
    %reshape3A_157 = vector.shape_cast %slice3A_156 : vector<8x4096xf32> to vector<8x32x128xf32>
    %transpose3A_158 = tpu.transpose %reshape3A_157, [1, 0, 2] : vector<8x32x128xf32> -> vector<32x8x128xf32>
    %swap3A_159 = arith.constant 3 : index
    %swap3A_160 = arith.constant 2 : index
    %swap3A_161 = arith.constant 0 : index
    %swap3A_162 = arith.constant 0 : index
    %swap3A_163 = arith.constant 0 : index
    %swap3A_164 = vector.load %arg2[%swap3A_159, %swap3A_160, %swap3A_161, %swap3A_162, %swap3A_163] : memref<4x4x32x8x128xf32, #tpu.memory_space<vmem>>, vector<1x1x32x8x128xf32>
    %swap3A_165 = vector.shape_cast %swap3A_164 : vector<1x1x32x8x128xf32> to vector<32x8x128xf32>
    %swap3A_166 = vector.shape_cast %transpose3A_158 : vector<32x8x128xf32> to vector<1x1x32x8x128xf32>
    tpu.vector_store %arg2[%swap3A_159, %swap3A_160, %swap3A_161, %swap3A_162, %swap3A_163], %swap3A_166 {strides = array<i32>} : memref<4x4x32x8x128xf32, #tpu.memory_space<vmem>>, vector<1x1x32x8x128xf32>,
    %slice3A_167 = vector.extract_strided_slice %transpose3A {offsets = [120, 0], sizes = [8, 4096], strides = [1, 1]} : vector<128x4096xf32> to vector<8x4096xf32>
    %reshape3A_168 = vector.shape_cast %slice3A_167 : vector<8x4096xf32> to vector<8x32x128xf32>
    %transpose3A_169 = tpu.transpose %reshape3A_168, [1, 0, 2] : vector<8x32x128xf32> -> vector<32x8x128xf32>
    %swap3A_170 = arith.constant 3 : index
    %swap3A_171 = arith.constant 3 : index
    %swap3A_172 = arith.constant 0 : index
    %swap3A_173 = arith.constant 0 : index
    %swap3A_174 = arith.constant 0 : index
    %swap3A_175 = vector.load %arg2[%swap3A_170, %swap3A_171, %swap3A_172, %swap3A_173, %swap3A_174] : memref<4x4x32x8x128xf32, #tpu.memory_space<vmem>>, vector<1x1x32x8x128xf32>
    %swap3A_176 = vector.shape_cast %swap3A_175 : vector<1x1x32x8x128xf32> to vector<32x8x128xf32>
    %swap3A_177 = vector.shape_cast %transpose3A_169 : vector<32x8x128xf32> to vector<1x1x32x8x128xf32>
    tpu.vector_store %arg2[%swap3A_170, %swap3A_171, %swap3A_172, %swap3A_173, %swap3A_174], %swap3A_177 {strides = array<i32>} : memref<4x4x32x8x128xf32, #tpu.memory_space<vmem>>, vector<1x1x32x8x128xf32>,
    return
  }
  func.func @transform_0(%arg0: i32) -> (i32, i32, i32, i32) {
    %c0_i32 = arith.constant 0 : i32
    %c0_i32_0 = arith.constant 0 : i32
    %c0_i32_1 = arith.constant 0 : i32
    %c0_i32_2 = arith.constant 0 : i32
    return %c0_i32, %arg0, %c0_i32_0, %c0_i32_1 : i32, i32, i32, i32
  }
  func.func @transform_1(%arg0: i32) -> (i32, i32, i32, i32, i32) {
    %c0_i32 = arith.constant 0 : i32
    %c0_i32_0 = arith.constant 0 : i32
    %c0_i32_1 = arith.constant 0 : i32
    %c0_i32_2 = arith.constant 0 : i32
    %c0_i32_3 = arith.constant 0 : i32
    return %arg0, %c0_i32, %c0_i32_0, %c0_i32_1, %c0_i32_2 : i32, i32, i32, i32, i32
  }
}

</mosaic_0001>

<sc_bundles>
// kernel: kernel.4.cloned.1.call-start
scs
__scs_entry_jumppad:
0x0: {  	(pc) =	sbr.rel $0x88, $3  }
0x1: {  	(tag) =	ssettag $0x0;
	lr =	simm.s32 $0x1  }
0x2: {  	[smem:$0x3F9F] =	sst lr;
	_ =	strace $0xD0000000  }
0x3: {  	_ = 	snop  }
0x4: {  	_ = 	snop  }
0x5: {  	_ = 	snop  }
0x6: {  	_ = 	snop  }
0x7: {  	_ = 	snop  }
__scs_overlays_trampoline_lowered:
0x8: {  	[smem:$0x3FAE] =	sst s0  }
0x9: {  	[smem:$0x3FAF] =	sst s1  }
0xa: {  	[smem:$0x3FB0] =	sst s2  }
0xb: {  	[smem:$0x3FB1] =	sst s3  }
0xc: {  	[smem:$0x3FB2] =	sst s4  }
0xd: {  	[smem:$0x3FB3] =	sst s5  }
0xe: {  	[smem:$0x3FB4] =	sst s6  }
0xf: {  	[smem:$0x3FB5] =	sst s7  }
0x10: {  	[smem:$0x3FB6] =	sst s8  }
0x11: {  	[smem:$0x3FB7] =	sst s9;
	s0 =	simm.s32 @!p0 $0x0  }
0x12: {  	s1 =	sld [smem:$0x3F9D];
	s0 =	simm.s32 @p0 $0x1  }
0x13: {  	[smem:$0x3FB8] =	sst s0;
	s0 =	simm.s32 @!p1 $0x0  }
0x14: {  	s2 =	sld [smem:$0x3F9C];
	s0 =	simm.s32 @p1 $0x1  }
0x15: {  	[smem:$0x3FB9] =	sst s0;
	s0 =	simm.s32 @!p2 $0x0  }
0x16: {  	s3 =	sld [smem:$0x3FDB];
	s0 =	simm.s32 @p2 $0x1  }
0x17: {  	s4 =	simm.s32 $0x1BF5;
	[smem:$0x3FBB] =	sst s0  }
0x18: {  	s0 =	sld [smem:$0x3F9E];
	_ =	swait.ge [sflag:s4], $0x0  }
0x19: {  	s7 =	sld [smem:$0x3F9F]  }
0x1a: {  	s8 =	sadd.s32 $0xFFFFE003, lr  }
0x1b: {  	s9 =	sadd.s32 $0xFFFFFEF7, lr;
	s5 =	simm.s32 $0xFFFFFFFF;
	p2 =	slt.u32 s8, $0xFFFFF086  }
0x1c: {  	p1 =	slt.u32 s9, $0xF7A;
	s5 =	simm.s32 @!p2 $0x0  }
0x1d: {  	s5 =	simm.s32 @p1 $0x1;
	p0 =	seq.s32 s7, s2  }
0x1e: {  	s7 =	smul.u32 @!p0 $0xF7A, s2;
	p2 =	seq.s32 @!p0 s5, $0x0  }
0x1f: {  	s9 =	smul.u32 $0xF7A, s1;
	s8 =	simm.s32 @!p0 $0x1BF5;
	p2 =	por !p2, p0  }
0x20: {  	[sflag:s8] =	ssyncset.s32 @!p0 $0xFFFFF086;
	s6 =	sadd.s32 @!p0 s3, s7;
	s7 =	simm.s32 @!p0 $0x108  }
0x21: {  	s3 =	sadd.s32 s3, s9;
	s6 =	sadd.s32 @!p0 $0x88, s6;
	s7 =	simm.s32 @p2 $0x1082  }
0x22: {  	[simem:s7], [sflag:s8] =	dma.local @!p0 [hbm:s6], $0xF7A  }
0x23: {  	s9 =	sor.u32 $0xD0000000, s2;
	s6 =	simm.s32 $0x108;
	_ =	swait.ge @!p0 [sflag:s8], $0x0  }
0x24: {  	s3 =	sadd.s32 $0x88, s3;
	s6 =	simm.s32 @!p1 $0x1082;
	[sflag:s4] =	ssyncset.s32 $0xFFFFF086  }
0x25: {  	[simem:s6], [sflag:s4] =	dma.local [hbm:s3], $0xF7A  }
0x26: {  	[smem:$0x3F9F] =	sst s1;
	(tag) =	ssettag s2;
	_ =	strace s9  }
0x27: {  	s1 =	sld [smem:$0x3FAF]  }
0x28: {  	s2 =	sld [smem:$0x3FB0]  }
0x29: {  	s4 =	sld [smem:$0x3FB2]  }
0x2a: {  	p0 =	seq.s32 s5, $0x0;
	s5 =	sld [smem:$0x3FB3]  }
0x2b: {  	s6 =	sld [smem:$0x3FB4]  }
0x2c: {  	s7 =	sld [smem:$0x3FB5]  }
0x2d: {  	s3 =	simm.s32 $0x108;
	s8 =	sld [smem:$0x3FB6]  }
0x2e: {  	s3 =	simm.s32 @!p0 $0x1082;
	s9 =	sld [smem:$0x3FB7]  }
0x2f: {  	lr =	sadd.s32 s0, s3;
	s0 =	sld [smem:$0x3FAE]  }
0x30: {  	s3 =	sld [smem:$0x3FB1]  }
0x31: {  	[smem:$0x3FBA] =	sst s10  }
0x32: {  	s10 =	sld [smem:$0x3FB8];
	_ =	sdelay $0x3  }
0x33: {  	p0 =	seq.s32 s10, $0x1;
	s10 =	sld [smem:$0x3FBA];
	_ =	sdelay $0x3  }
0x34: {  	[smem:$0x3FBA] =	sst s10  }
0x35: {  	s10 =	sld [smem:$0x3FB9];
	_ =	sdelay $0x3  }
0x36: {  	p1 =	seq.s32 s10, $0x1;
	s10 =	sld [smem:$0x3FBA];
	_ =	sdelay $0x3  }
0x37: {  	[smem:$0x3FBA] =	sst s10  }
0x38: {  	s10 =	sld [smem:$0x3FBB]  }
0x39: {  	_ = 	snop;
	(pc) =	sbr.ind lr, $3  }
0x3a: {  	_ = 	snop  }
0x3b: {  	_ = 	snop  }
0x3c: {  	p2 =	seq.s32 s10, $0x1;
	s10 =	sld [smem:$0x3FBA]  }
0x3d: {  	_ =	shalt  }
0x3e: {  	_ =	shalt  }
0x3f: {  	_ =	shalt  }
0x40: {  	_ =	shalt  }
0x41: {  	_ =	shalt  }
0x42: {  	_ =	shalt  }
0x43: {  	_ =	shalt  }
0x44: {  	_ =	shalt  }
0x45: {  	_ =	shalt  }
0x46: {  	_ =	shalt  }
0x47: {  	_ =	shalt  }
0x48: {  	_ =	shalt  }
0x49: {  	_ =	shalt  }
0x4a: {  	_ =	shalt  }
0x4b: {  	_ =	shalt  }
0x4c: {  	_ =	shalt  }
0x4d: {  	_ =	shalt  }
0x4e: {  	_ =	shalt  }
0x4f: {  	_ =	shalt  }
0x50: {  	_ =	shalt  }
0x51: {  	_ =	shalt  }
0x52: {  	_ =	shalt  }
0x53: {  	_ =	shalt  }
0x54: {  	_ =	shalt  }
0x55: {  	_ =	shalt  }
0x56: {  	_ =	shalt  }
0x57: {  	_ =	shalt  }
0x58: {  	_ =	shalt  }
0x59: {  	_ =	shalt  }
0x5a: {  	_ =	shalt  }
0x5b: {  	_ =	shalt  }
0x5c: {  	_ =	shalt  }
0x5d: {  	_ =	shalt  }
0x5e: {  	_ =	shalt  }
0x5f: {  	_ =	shalt  }
0x60: {  	_ =	shalt  }
0x61: {  	_ =	shalt  }
0x62: {  	_ =	shalt  }
0x63: {  	_ =	shalt  }
0x64: {  	_ =	shalt  }
0x65: {  	_ =	shalt  }
0x66: {  	_ =	shalt  }
0x67: {  	_ =	shalt  }
0x68: {  	_ =	shalt  }
0x69: {  	_ =	shalt  }
0x6a: {  	_ =	shalt  }
0x6b: {  	_ =	shalt  }
0x6c: {  	_ =	shalt  }
0x6d: {  	_ =	shalt  }
0x6e: {  	_ =	shalt  }
0x6f: {  	_ =	shalt  }
0x70: {  	_ =	shalt  }
0x71: {  	_ =	shalt  }
0x72: {  	_ =	shalt  }
0x73: {  	_ =	shalt  }
0x74: {  	_ =	shalt  }
0x75: {  	_ =	shalt  }
0x76: {  	_ =	shalt  }
0x77: {  	_ =	shalt  }
0x78: {  	_ =	shalt  }
0x79: {  	_ =	shalt  }
0x7a: {  	_ =	shalt  }
0x7b: {  	_ =	shalt  }
0x7c: {  	_ =	shalt  }
0x7d: {  	_ =	shalt  }
0x7e: {  	_ =	shalt  }
0x7f: {  	_ =	shalt  }
0x80: {  	_ =	shalt  }
0x81: {  	_ =	shalt  }
0x82: {  	_ =	shalt  }
0x83: {  	_ =	shalt  }
0x84: {  	_ =	shalt  }
0x85: {  	_ =	shalt  }
0x86: {  	_ =	shalt  }
0x87: {  	_ =	shalt  }
.Lfunc_end0:
.L_simem_size_0:
called_computation_lowered:
.L_overlay_start_0:
0x88: {  	s2 =	sld [smem:$0x3FD9]  }
0x89: {  	s3 =	sld [smem:$0x3FFE];
	_ =	sdelay $0x1  }
0x8a: {  	s1 =	srdreg.scid  }
0x8b: {  	s0 =	sand.u32 $0x1, s1  }
0x8c: {  	s17 =	sshll.u32 s0, $0xA;
	s2 =	sadd.s32 s3, s2  }
0x8d: {  	s2 =	sadd.s32 s2, s17  }
0x8e: {  	[smem:$0x3FC6] =	sst s2  }
0x8f: {  	_ = 	snop  }
0x90: {  	s2 =	sld [smem:$0x3FD0];
	(tm) =	ssettm $0x1  }
0x91: {  	s18 =	sld [smem:$0x3FFB];
	_ =	sdelay $0x3  }
0x92: {  	_ =	strace s18  }
0x93: {  	s3 =	sld [smem:$0x3FFC];
	_ =	sdelay $0x3  }
0x94: {  	_ =	strace s3  }
0x95: {  	s3 =	sld [smem:$0x3FFD];
	_ =	sdelay $0x3  }
0x96: {  	_ =	strace s3  }
0x97: {  	_ =	strace $0x8FFFFFFF  }
0x98: {  	s19 =	sld [smem:$0x3FDB];
	_ =	sdelay $0x1  }
0x99: {  	s4 =	simm.s32 $_scs_section_size  }
0x9a: {  	s5 =	simm.s32 $_size__tile_overlayer_lowered;
	s6 =	simm.s32 $_tile_overlayer_lowered  }
0x9b: {  	s22 =	simm.s32 $0x1BFF;
	s21 =	sshll.u32 s6, $0x1;
	s3 =	sadd.s32 s4, s19  }
0x9c: {  	s7 =	simm.s32 $0x0;
	s20 =	sshll.u32 s5, $0x1;
	s5 =	sadd.s32 s21, s3  }
0x9d: {  	[timem:s7], [sflag:s22] =	dma.local [hbm:s5], s20  }
0x9e: {  	_ =	swait.ge [sflag:s22], s20  }
0x9f: {  	s4 =	ssub.s32 $0x0, s20;
	[sflag:s22] =	ssyncset.done $0x0  }
0xa0: {  	[sflag:s22] =	ssyncadd.s32 s4;
	_ =	sdelay $0x1  }
0xa1: {  	s23 =	simm.s32 $0x1B8B  }
0xa2: {  	_ =	swait.ge [sflag:s23], $0x1  }
0xa3: {  	[sflag:s23] =	ssyncset.done $0x0  }
0xa4: {  	s25 =	simm.s32 $0x1B8E;
	s24 =	sld [smem:$0x3FFE];
	[sflag:s23] =	ssyncadd.s32 $0xFFFFFFFF  }
0xa5: {  	s26 =	simm.s32 $execute0_lowered;
	[smem:$0x3FD2] =	sst s25  }
0xa6: {  	s5 =	sshll.u32 s26, $0x1;
	_ =	strace $0x80000046;
	[dreg:$0x1] =	wrdreg $0xFFFFFFFF  }
0xa7: {  	s28 =	simm.s32 $_size_execute0_lowered;
	s3 =	sadd.s32 s3, s5;
	[dreg:$0x0] =	wrdreg $0x0  }
0xa8: {  	s5 =	sshll.u32 s28, $0x1;
	[dreg:$0x2] =	wrdreg s3  }
0xa9: {  	[dreg:$0x3] =	wrdreg s5  }
0xaa: {  	[dreg:$0x4] =	wrdreg $0xC0  }
0xab: {  	_ =	task [dreg:s7], $0x5FFFF  }
0xac: {  	[dreg:$0x1] =	wrdreg $0xFFFFFFFF  }
0xad: {  	[dreg:$0x0] =	wrdreg $0x60  }
0xae: {  	[dreg:$0x2] =	wrdreg s24  }
0xaf: {  	[dreg:$0x3] =	wrdreg s2  }
0xb0: {  	[dreg:$0x4] =	wrdreg $0x9  }
0xb1: {  	_ =	task.clear_ibuf [dreg:s7], $0x5FFFF;
	_ =	strace $0x90000046  }
0xb2: {  	s29 =	simm.s32 $0x9;
	_ =	strace $0x80000048  }
0xb3: {  	_ =	swait.ge [sflag:s29], $0x1  }
0xb4: {  	[sflag:s29] =	ssyncadd.s32 $0xFFFFFFFF  }
0xb5: {  	_ =	strace $0x90000048  }
0xb6: {  	_ =	sfence  }
0xb7: {  	s30 =	sld [smem:$0x0];
	_ =	sdelay $0x2  }
0xb8: {  	s31 =	sshll.u32 s1, $0xD;
	s1 =	sshrl.u32 s1, $0x2  }
0xb9: {  	s3 =	sand.u32 $0x4000, s31;
	s1 =	sadd.s32 s1, s30  }
0xba: {  	s0 =	sor.u32 s3, s0;
	s1 =	sshll.u32 s1, $0x11  }
0xbb: {  	s0 =	sor.u32 s1, s0  }
0xbc: {  	s0 =	sadd.s32 $0x8F2B, s0  }
0xbd: {  	[sflag:s0] =	ssyncadd.remote.s32 $0x1  }
0xbe: {  	_ =	sfence.sel $0xFFFF  }
0xbf: {  	[dreg:$0x0] =	wrdreg $0xFFFFFFFF;
	(pc) =	sbr.abs _section_cstart, $3  }
0xc0: {  	[dreg:$0x1] =	wrdreg $0xFFFFFFFF  }
0xc1: {  	_ =	task.clear_ibuf [dreg:s7], $0x2FFFF;
	_ =	strace $0x9FFFFFFF  }
0xc2: {  	(tm) =	ssettm $0x7FFFFFFF  }
0xc3: {  	_ =	shalt  }
tec
execute0_lowered:
.L_overlay_start_1:
0x0: {  	(tag) =	ssettag $0x1  }
0x1: {  	s4 =	rddreg [dreg:$0x0]  }
0x2: {  	s5 =	rddreg [dreg:$0x1]  }
0x3: {  	s0 =	rddreg [dreg:$0x2];
	s3 =	srdreg.scid  }
0x4: {  	s1 =	stileid.u32;
	s2 =	simm.s32 $0x0;
	s12 =	simm.s32 $0x10400  }
0x5: {  	s13 =	simm.s32 $0x0;
	s6 =	sand.u32 $0x1, s3;
	s30 =	sshll.u32 s1, $0x1  }
0x6: {  	[smem:$0x7FF] =	sst s2;
	s31 =	smul.u32 $0x32000, s1;
	s7 =	sor.u32 s6, s30  }
0x7: {  	s3 =	sadd.s32 $0xF42A00, s4;
	s8 =	ssub.s32 $0x2, s6;
	s9 =	smul.u32 $0x6400, s7  }
0x8: {  	s4 =	sadd.s32 $0x600, s4;
	s10 =	sshrl.u32 s8, $0x1;
	s7 =	smul.u32 $0x19000, s7  }
0x9: {  	_ =	strace $0x80000047;
	s11 =	smul.u32 $0x19000, s6;
	s8 =	ssub.s32 s8, s10  }
0xa: {  	s10 =	simm.s32 $0x6400;
	s9 =	sshrl.u32 s9, $0x3;
	s7 =	sadd.s32 s4, s7  }
0xb: {  	s6 =	smax.u32 s8, $0x1;
	s8 =	sadd.s32 s11, s31;
	s11 =	simm.s32 $0x2  }
0xc: {  	s5 =	sadd.s32 s5, s9;
	s7 =	sadd.s32 $0x17C00, s7;
	s9 =	simm.s32 $0x3  }
.LBB2_1:
0xd: {  	[tilespmem:s2], [sflag:$0x3] =	stream.linear.gather [hbm4b:s5+s2], $0x6400, $0x38;
	[tilespmem:$0x1A400] =	vst v63  }
0xe: {  	_ =	swait.ge [sflag:s9], $0x6400  }
0xf: {  	s15 =	sand.u32 $0x1, s2;
	[sflag:s9] =	ssyncset.done $0x0  }
0x10: {  	s14 =	simm.s32 $0x500;
	p0 =	seq.s32 s15, $0x1;
	[sflag:s9] =	ssyncadd.s32 $0xFFFF9C00  }
0x11: {  	[tilespmem:s10], [sflag:$0x1] =	stream.indirect.gather [hbm4b:s3+s14], $0x20, s2, s14, $0xb8;
	[tilespmem:$0x1A400] =	vst v63  }
0x12: {  	s15 =	simm.s32 @p0 $0x500;
	s16 =	simm.s32 @p0 $0x6400;
	s17 =	simm.s32 @p0 $0x2  }
0x13: {  	[tilespmem:s16], [sflag:$0x1] =	stream.indirect.gather @p0 [hbm4b:s3+s15], $0x20, s14, s15, $0xb8;
	[tilespmem:$0x1A400] =	vst v63  }
0x14: {  	_ =	swait.ge @p0 [sflag:s17], $0xA000  }
0x15: {  	s31 =	simm.s32 $0x1;
	s18 =	simm.s32 @p0 $0x0;
	[sflag:s17] =	ssyncset.done @p0 $0x0  }
0x16: {  	s16 =	simm.s32 @p0 $0x10400;
	[sflag:s17] =	ssyncadd.s32 @p0 $0xFFFF6000;
	s17 =	sadd.s32 @p0 s8, s4  }
0x17: {  	[hbm4b:s17+s18] =	stream.linear.scatter @p0 [tilespmem:s16], [sflag:$0x3], $0xA000, $0x38;
	[tilespmem:$0x1A400] =	vst v63  }
0x18: {  	s16 =	simm.s32 @!p0 $0x500;
	s17 =	simm.s32 @!p0 $0x10400;
	s18 =	simm.s32 @!p0 $0x1  }
0x19: {  	[tilespmem:s17], [sflag:$0x2] =	stream.indirect.gather @!p0 [hbm4b:s3+s16], $0x20, s14, s16, $0xb8;
	[tilespmem:$0x1A400] =	vst v63  }
0x1a: {  	s14 =	sand.u32 @!p0 $0x1FFFF800, s8;
	s17 =	simm.s32 @!p0 $0x4;
	_ =	swait.ge @!p0 [sflag:s18], $0xA000  }
0x1b: {  	s16 =	simm.s32 @!p0 $0x0;
	s14 =	sadd.s32 @!p0 s4, s14;
	[sflag:s18] =	ssyncset.done @!p0 $0x0  }
0x1c: {  	s17 =	simm.s32 @p0 $0x3;
	[sflag:s18] =	ssyncadd.s32 @!p0 $0xFFFF6000;
	s18 =	simm.s32 @!p0 $0x6400  }
0x1d: {  	[hbm4b:s14+s16] =	stream.linear.scatter @!p0 [tilespmem:s18], [sflag:$0x4], $0xA000, $0x38;
	[tilespmem:$0x1A400] =	vst v63  }
0x1e: {  	s15 =	sadd.s32 $0x1400, s8;
	s16 =	simm.s32 $0x2;
	_ =	swait.ge [sflag:s17], $0xA000  }
0x1f: {  	s14 =	simm.s32 $0xA00;
	s18 =	sand.u32 $0x1, s31;
	[sflag:s17] =	ssyncset.done $0x0  }
.LBB2_2:
0x20: {  	p0 =	seq.s32 s18, $0x1  }
0x21: {  	[sflag:s17] =	ssyncadd.s32 $0xFFFF6000;
	s18 =	smov.u32 s16;
	s16 =	sadd.s32 $0x1, s16  }
0x22: {  	s17 =	simm.s32 @p0 $0x500;
	s19 =	simm.s32 @p0 $0x6400;
	s20 =	simm.s32 @p0 $0x2  }
0x23: {  	[tilespmem:s19], [sflag:$0x1] =	stream.indirect.gather @p0 [hbm4b:s3+s17], $0x20, s14, s17, $0xb8;
	[tilespmem:$0x1A400] =	vst v63  }
0x24: {  	s19 =	sand.u32 @!p0 $0x1FFFF800, s15;
	s17 =	simm.s32 @!p0 $0x4;
	_ =	swait.ge @p0 [sflag:s20], $0xA000  }
0x25: {  	s21 =	simm.s32 @p0 $0x10400;
	s19 =	sadd.s32 @!p0 s4, s19;
	[sflag:s20] =	ssyncset.done @p0 $0x0  }
0x26: {  	s22 =	simm.s32 @p0 $0x0;
	[sflag:s20] =	ssyncadd.s32 @p0 $0xFFFF6000;
	s20 =	sadd.s32 @p0 s15, s4  }
0x27: {  	[hbm4b:s20+s22] =	stream.linear.scatter @p0 [tilespmem:s21], [sflag:$0x3], $0xA000, $0x38;
	[tilespmem:$0x1A400] =	vst v63  }
0x28: {  	s20 =	simm.s32 @!p0 $0x500;
	s21 =	simm.s32 @!p0 $0x10400;
	s22 =	simm.s32 @!p0 $0x1  }
0x29: {  	[tilespmem:s21], [sflag:$0x2] =	stream.indirect.gather @!p0 [hbm4b:s3+s20], $0x20, s14, s20, $0xb8;
	[tilespmem:$0x1A400] =	vst v63  }
0x2a: {  	p1 =	sne.s32 s16, $0x13;
	_ =	swait.ge @!p0 [sflag:s22], $0xA000  }
.Ltmp0:
0x2b: {  	s17 =	simm.s32 @p0 $0x3;
	[sflag:s22] =	ssyncset.done @!p0 $0x0;
	(pc) =	sbr.rel @p1 .LBB2_2-.Ltmp0, $4  }
0x2c: {  	s20 =	simm.s32 @!p0 $0x0;
	s21 =	simm.s32 @!p0 $0x6400;
	[sflag:s22] =	ssyncadd.s32 @!p0 $0xFFFF6000  }
0x2d: {  	[hbm4b:s19+s20] =	stream.linear.scatter @!p0 [tilespmem:s21], [sflag:$0x4], $0xA000, $0x38;
	[tilespmem:$0x1A400] =	vst v63  }
0x2e: {  	s14 =	sadd.s32 $0x500, s14;
	_ =	swait.ge [sflag:s17], $0xA000  }
0x2f: {  	s18 =	sand.u32 $0x1, s18;
	s15 =	sadd.s32 $0x1400, s15;
	[sflag:s17] =	ssyncset.done $0x0  }
0x30: {  	p0 =	seq.s32 s18, $0x1;
	[sflag:s17] =	ssyncadd.s32 $0xFFFF6000  }
0x31: {  	s16 =	simm.s32 @p0 $0x500;
	s17 =	simm.s32 @p0 $0x6400;
	s18 =	simm.s32 @p0 $0x2  }
0x32: {  	[tilespmem:s17], [sflag:$0x1] =	stream.indirect.gather @p0 [hbm4b:s3+s16], $0x20, s14, s16, $0xb8;
	[tilespmem:$0x1A400] =	vst v63  }
0x33: {  	_ =	swait.ge @p0 [sflag:s18], $0xA000  }
0x34: {  	s16 =	simm.s32 @p0 $0x10400;
	[sflag:s18] =	ssyncset.done @p0 $0x0  }
0x35: {  	s17 =	sadd.s32 @p0 s15, s4;
	[sflag:s18] =	ssyncadd.s32 @p0 $0xFFFF6000;
	s18 =	simm.s32 @p0 $0x0  }
0x36: {  	[hbm4b:s17+s18] =	stream.linear.scatter @p0 [tilespmem:s16], [sflag:$0x3], $0xA000, $0x38;
	[tilespmem:$0x1A400] =	vst v63  }
0x37: {  	s16 =	simm.s32 @!p0 $0x500;
	s17 =	simm.s32 @!p0 $0x10400;
	s18 =	simm.s32 @!p0 $0x1  }
0x38: {  	[tilespmem:s17], [sflag:$0x2] =	stream.indirect.gather @!p0 [hbm4b:s3+s16], $0x20, s14, s16, $0xb8;
	[tilespmem:$0x1A400] =	vst v63  }
0x39: {  	s14 =	sand.u32 @!p0 $0x1FFFF800, s15;
	s15 =	simm.s32 @!p0 $0x4;
	_ =	swait.ge @!p0 [sflag:s18], $0xA000  }
0x3a: {  	s16 =	simm.s32 @!p0 $0x0;
	s17 =	simm.s32 @!p0 $0x6400;
	[sflag:s18] =	ssyncset.done @!p0 $0x0  }
0x3b: {  	s14 =	sadd.s32 @!p0 s4, s14;
	s15 =	simm.s32 @p0 $0x3;
	[sflag:s18] =	ssyncadd.s32 @!p0 $0xFFFF6000  }
0x3c: {  	[hbm4b:s14+s16] =	stream.linear.scatter @!p0 [tilespmem:s17], [sflag:$0x4], $0xA000, $0x38;
	[tilespmem:$0x1A400] =	vst v63  }
0x3d: {  	_ =	swait.ge [sflag:s15], $0xA000  }
0x3e: {  	[sflag:s15] =	ssyncset.done $0x0  }
0x3f: {  	[sflag:s15] =	ssyncadd.s32 $0xFFFF6000  }
0x40: {  	s13 =	sadd.s32 $0x1, s13;
	_ =	swait.ge [sflag:s11], $0xA000  }
0x41: {  	p0 =	sne.s32 s13, s6;
	[sflag:s11] =	ssyncset.done $0x0  }
.Ltmp1:
0x42: {  	[sflag:s11] =	ssyncadd.s32 $0xFFFF6000;
	(pc) =	sbr.rel @p0 .LBB2_1-.Ltmp1, $4  }
0x43: {  	[hbm4b:s7+s2] =	stream.linear.scatter [tilespmem:s12], [sflag:$0x3], $0xA000, $0x38;
	[tilespmem:$0x1A400] =	vst v63  }
0x44: {  	_ =	swait.ge [sflag:s9], $0xA000  }
0x45: {  	[sflag:s9] =	ssyncset.done $0x0  }
0x46: {  	[sflag:s9] =	ssyncadd.s32 $0xFFFF6000  }
0x47: {  	_ =	sfence.sel $0x180000  }
0x48: {  	[bflag:$0x0] =	sbarrier.arrive $0xFFFF  }
0x49: {  	p0 =	sne.s32 s1, $0x0;
	_ =	strace $0x90000047  }
0x4a: {  	s0 =	sadd.s32 @!p0 $0x100000, s0;
	[bflag:$0x2] =	sbarrier.arrive $0xFFFF  }
0x4b: {  	[sflag:s0] =	ssyncadd.tile.s32 @!p0 $0x1;
	_ =	shalt  }
.Lfunc_end2:
_tile_overlayer_lowered:
.L_overlay_start_2:
0x4c: {  	(tag) =	ssettag $0x2  }
0x4d: {  	s0 =	rddreg [dreg:$0x0];
	s2 =	stileid.u32  }
0x4e: {  	s1 =	rddreg [dreg:$0x1];
	p0 =	sne.s32 s2, $0x0  }
0x4f: {  	s3 =	rddreg [dreg:$0x2];
	[bflag:$0x3] =	sbarrier.arrive $0xFFFF;
	s2 =	simm.s32 @!p0 $0x1C03  }
0x50: {  	[timem:s3], [sflag:s2] =	dma.local @!p0 [hbm:s0], s1  }
0x51: {  	s0 =	simm.s32 @!p0 $0x3  }
0x52: {  	_ =	swait.ge @!p0 [sflag:s0], s1  }
0x53: {  	s1 =	ssub.s32 @!p0 $0x0, s1;
	[sflag:s0] =	ssyncset.done @!p0 $0x0  }
0x54: {  	[sflag:s0] =	ssyncadd.s32 @!p0 s1  }
0x55: {  	[bflag:$0x3] =	sbarrier.arrive $0xFFFF  }
0x56: {  	_ =	shalt  }

</sc_bundles>
